<compile_context>
chip_gen: v7x
topology: tpu7x:2x2x1
jax: 0.10.2.dev20260603
libtpu: 0.0.44.dev20260713+nightly
codegen_flags: <defaults>
</compile_context>

<pallas_src>
import functools

import jax
import jax.numpy as jnp
from jax import lax
from jax.experimental import pallas as pl
from jax.experimental.pallas import tpu as pltpu
from jax.experimental.pallas import tpu_sc as plsc

B = 16384
NNZ = 26
D = 16
TOTAL = B * NNZ
NUM_WORKERS = 32
ROWS_PER_WORKER = TOTAL // NUM_WORKERS
CHUNK = 6656
NCHUNKS = ROWS_PER_WORKER // CHUNK
GROUPS = CHUNK // 16

_mesh = plsc.VectorSubcoreMesh(core_axis_name="c", subcore_axis_name="s")


@functools.partial(
    pl.kernel,
    mesh=_mesh,
    out_type=jax.ShapeDtypeStruct((TOTAL, D), jnp.float32),
    scratch_types=[
        pltpu.VMEM((CHUNK,), jnp.int32),
        pltpu.VMEM((GROUPS, 16), jnp.float32),
        pltpu.VMEM((CHUNK, D), jnp.float32),
        pltpu.SemaphoreType.DMA,
    ],
    compiler_params=pltpu.CompilerParams(use_tc_tiling_on_sc=False),
)
def _emb_sc(idx_hbm, val_hbm, table_hbm, out_hbm, idx_v, val_v, rows_v, sem):
    wid = lax.axis_index("s") * 2 + lax.axis_index("c")
    base = wid * ROWS_PER_WORKER

    def do_chunk(c, carry):
        cbase = pl.multiple_of(base + c * CHUNK, 512)
        pltpu.sync_copy(idx_hbm.at[pl.ds(cbase, CHUNK)], idx_v)
        pltpu.sync_copy(
            val_hbm.at[pl.ds(pl.multiple_of(cbase // 16, 32), GROUPS)], val_v
        )
        pltpu.async_copy(table_hbm.at[idx_v], rows_v, sem).wait()

        def scale_group(g, carry2):
            vals = val_v[g]
            r0 = g * 16
            for j in range(16):
                rows_v[r0 + j] = rows_v[r0 + j] * vals[j]
            return carry2

        lax.fori_loop(0, GROUPS, scale_group, 0)
        pltpu.sync_copy(rows_v, out_hbm.at[pl.ds(cbase, CHUNK)])
        return carry

    lax.fori_loop(0, NCHUNKS, do_chunk, 0)


def kernel(x, x_val, table):
    idx = x.reshape(TOTAL)
    val = x_val.reshape(TOTAL // 16, 16)
    out = _emb_sc(idx, val, table)
    return out.reshape(B, NNZ, D)

# --- scband reference (transcript-rebuilt; emitter-appended) ---
"""Pipeline reference for scband-features-embedding-42511586296114 (READ-ONLY COPY).

The authoritative reference and input builder live on the scoring server;
editing this copy changes nothing except your own understanding.
"""

import jax, jax.numpy as jnp
import numpy as np

INPUT_DIM = 1000000
EMBED_DIM = 16
BATCH = 16384
NNZ = 26

def setup_inputs(seed: int = 0) -> dict:
    key = jax.random.key(seed)
    k1, k2, k3 = jax.random.split(key, 3)
    x = jax.random.randint(k1, (BATCH, NNZ), 0, INPUT_DIM, dtype=jnp.int64 if jax.config.jax_enable_x64 else jnp.int32).astype(jnp.int32)
    x_val = jax.random.uniform(k2, (BATCH, NNZ), dtype=jnp.float32)
    table = jax.random.normal(k3, (INPUT_DIM, EMBED_DIM), dtype=jnp.float32) * 0.01
    # padding_idx=0: torch zero-initializes and freezes the padding row
    table = table.at[0].set(0.0)
    return {"x": x, "x_val": x_val, "table": table}

def reference(x, x_val, table):
    # emulate padding_idx=0 (row 0 always contributes zeros)
    table = table.at[0].set(0.0)
    emb = jnp.take(table, x, axis=0)          # (B, nnz, embed_dim) gather
    out = x_val[..., None] * emb               # weighted embedding
    return out

if __name__ == "__main__":
    import jax
    _d = setup_inputs()
    print(jax.jit(kernel)(*tuple(_d.values())))

</pallas_src>

<mosaic_0001>
#map = affine_map<(d0, d1) -> (0)>
#map1 = affine_map<(d0, d1) -> (0, 0)>
module attributes {stable_mosaic.version = 14 : i64} {
  func.func @_emb_sc(%arg0: i32, %arg1: i32, %arg2: memref<425984xi32, #tpu.memory_space<hbm>>, %arg3: memref<26624x16xf32, #tpu.memory_space<hbm>>, %arg4: memref<1000000x16xf32, #tpu.memory_space<hbm>>, %arg5: memref<425984x16xf32, #tpu.memory_space<hbm>>, %arg6: memref<6656xi32, #tpu.memory_space<vmem>>, %arg7: memref<416x16xf32, #tpu.memory_space<vmem>>, %arg8: memref<6656x16xf32, #tpu.memory_space<vmem>>, %arg9: memref<!tpu.dma_semaphore, #tpu.memory_space<semaphore_mem>>) attributes {dimension_semantics = [#tpu.dimension_semantics<core_parallel>, #tpu.dimension_semantics<subcore_parallel>], iteration_bounds = array<i64: 2, 16>, scalar_prefetch = 0 : i64, scratch_operands = 4 : i64, tpu.core_type = #tpu.core_type<sc_vector_subcore>, window_params = [{transform_indices = #map}, {transform_indices = #map1}, {transform_indices = #map1}, {transform_indices = #map1}]} {
    %mul3A = arith.constant 2 : i32
    %mul3A_0 = arith.muli %arg1, %mul3A : i32
    %add3A = arith.addi %mul3A_0, %arg0 : i32
    %mul3A_1 = arith.constant 13312 : i32
    %mul3A_2 = arith.muli %add3A, %mul3A_1 : i32
    %scan3A = arith.constant 0 : i32
    %scan3A_3 = arith.constant 0 : i32
    %scan3A_4 = arith.constant 2 : i32
    %scan3A_5 = arith.addi %scan3A_3, %scan3A_4 : i32
    %scan3A_6 = arith.constant 1 : i32
    scf.for %scan3A_8 = %scan3A_3 to %scan3A_5 step %scan3A_6  : i32 {
      %mul3A_9 = arith.constant 6656 : i32
      %mul3A_10 = arith.muli %scan3A_8, %mul3A_9 : i32
      %add3A_11 = arith.addi %mul3A_2, %mul3A_10 : i32
      %multiple_of3A = tpu.assume_multiple %add3A_11, 512 : i32
      "tpu.region"() ({
        %run_scoped3A = tpu.sem_alloc : memref<!tpu.dma_semaphore, #tpu.memory_space<semaphore_mem>>
        %dma_start3A_39 = tpu.memref_slice %arg2[%multiple_of3A] : memref<425984xi32, #tpu.memory_space<hbm>> -> memref<6656xi32, #tpu.memory_space<hbm>>
        %dma_start3A_40 = tpu.memref_slice %arg2[%multiple_of3A] : memref<425984xi32, #tpu.memory_space<hbm>> -> memref<6656xi32, #tpu.memory_space<hbm>>
        tpu.enqueue_dma source(%dma_start3A_40 : memref<6656xi32, #tpu.memory_space<hbm>>) target(%arg6 : memref<6656xi32, #tpu.memory_space<vmem>>) target_semaphore(%run_scoped3A : memref<!tpu.dma_semaphore, #tpu.memory_space<semaphore_mem>>)
        %dma_wait3A_41 = tpu.memref_slice %arg2[%multiple_of3A] : memref<425984xi32, #tpu.memory_space<hbm>> -> memref<6656xi32, #tpu.memory_space<hbm>>
        %dma_wait3A_42 = tpu.memref_slice %arg2[%multiple_of3A] : memref<425984xi32, #tpu.memory_space<hbm>> -> memref<6656xi32, #tpu.memory_space<hbm>>
        tpu.wait_dma2 semaphore(%run_scoped3A : memref<!tpu.dma_semaphore, #tpu.memory_space<semaphore_mem>>) src(%dma_wait3A_42 : memref<6656xi32, #tpu.memory_space<hbm>>) dst(%arg6 : memref<6656xi32, #tpu.memory_space<vmem>>)
        tpu.yield
      }) : () -> ()
      %jit3A = arith.constant 16 : i32
      %div3A = arith.divsi %multiple_of3A, %jit3A : i32
      %sign3A = arith.constant 0 : i32
      %sign3A_12 = arith.cmpi sgt, %multiple_of3A, %sign3A : i32
      %sign3A_13 = arith.extui %sign3A_12 : i1 to i32
      %sign3A_14 = arith.constant 0 : i32
      %sign3A_15 = arith.cmpi slt, %multiple_of3A, %sign3A_14 : i32
      %sign3A_16 = arith.extui %sign3A_15 : i1 to i32
      %sign3A_17 = arith.subi %sign3A_13, %sign3A_16 : i32
      %sign3A_18 = arith.constant 0 : i32
      %sign3A_19 = arith.cmpi sgt, %jit3A, %sign3A_18 : i32
      %sign3A_20 = arith.extui %sign3A_19 : i1 to i32
      %sign3A_21 = arith.constant 0 : i32
      %sign3A_22 = arith.cmpi slt, %jit3A, %sign3A_21 : i32
      %sign3A_23 = arith.extui %sign3A_22 : i1 to i32
      %sign3A_24 = arith.subi %sign3A_20, %sign3A_23 : i32
      %ne3A = arith.cmpi ne, %sign3A_17, %sign3A_24 : i32
      %rem3A = arith.remsi %multiple_of3A, %jit3A : i32
      %ne3A_25 = arith.constant 0 : i32
      %ne3A_26 = arith.cmpi ne, %rem3A, %ne3A_25 : i32
      %and3A = arith.andi %ne3A, %ne3A_26 : i1
      %sub3A = arith.constant 1 : i32
      %sub3A_27 = arith.subi %div3A, %sub3A : i32
      %select_n3A = arith.select %and3A, %sub3A_27, %div3A : i32
      %multiple_of3A_28 = tpu.assume_multiple %select_n3A, 32 : i32
      "tpu.region"() ({
        %run_scoped3A = tpu.sem_alloc : memref<!tpu.dma_semaphore, #tpu.memory_space<semaphore_mem>>
        %dma_start3A_39 = arith.constant 0 : i32
        %dma_start3A_40 = tpu.memref_slice %arg3[%multiple_of3A_28, %dma_start3A_39] : memref<26624x16xf32, #tpu.memory_space<hbm>> -> memref<416x16xf32, #tpu.memory_space<hbm>>
        %dma_start3A_41 = arith.constant 0 : i32
        %dma_start3A_42 = tpu.memref_slice %arg3[%multiple_of3A_28, %dma_start3A_41] : memref<26624x16xf32, #tpu.memory_space<hbm>> -> memref<416x16xf32, #tpu.memory_space<hbm>>
        tpu.enqueue_dma source(%dma_start3A_42 : memref<416x16xf32, #tpu.memory_space<hbm>>) target(%arg7 : memref<416x16xf32, #tpu.memory_space<vmem>>) target_semaphore(%run_scoped3A : memref<!tpu.dma_semaphore, #tpu.memory_space<semaphore_mem>>)
        %dma_wait3A_43 = arith.constant 0 : i32
        %dma_wait3A_44 = tpu.memref_slice %arg3[%multiple_of3A_28, %dma_wait3A_43] : memref<26624x16xf32, #tpu.memory_space<hbm>> -> memref<416x16xf32, #tpu.memory_space<hbm>>
        %dma_wait3A_45 = arith.constant 0 : i32
        %dma_wait3A_46 = tpu.memref_slice %arg3[%multiple_of3A_28, %dma_wait3A_45] : memref<26624x16xf32, #tpu.memory_space<hbm>> -> memref<416x16xf32, #tpu.memory_space<hbm>>
        tpu.wait_dma2 semaphore(%run_scoped3A : memref<!tpu.dma_semaphore, #tpu.memory_space<semaphore_mem>>) src(%dma_wait3A_46 : memref<416x16xf32, #tpu.memory_space<hbm>>) dst(%arg7 : memref<416x16xf32, #tpu.memory_space<vmem>>)
        tpu.yield
      }) : () -> ()
      %dma_start3A = arith.constant 0 : i32
      %dma_start3A_29 = arith.constant 0 : i32
      %dma_start3A_30 = tpu.memref_slice %arg4[%dma_start3A, %dma_start3A_29] : memref<1000000x16xf32, #tpu.memory_space<hbm>> -> memref<1000000x16xf32, #tpu.memory_space<hbm>>
      tpu.enqueue_indirect_dma source(%dma_start3A_30 : memref<1000000x16xf32, #tpu.memory_space<hbm>>) target(%arg8 : memref<6656x16xf32, #tpu.memory_space<vmem>>) offsets(%arg6 : memref<6656xi32, #tpu.memory_space<vmem>>) semaphore(%arg9 : memref<!tpu.dma_semaphore, #tpu.memory_space<semaphore_mem>>)
      %dma_wait3A = arith.constant 0 : i32
      %dma_wait3A_31 = arith.constant 0 : i32
      %dma_wait3A_32 = tpu.memref_slice %arg4[%dma_wait3A, %dma_wait3A_31] : memref<1000000x16xf32, #tpu.memory_space<hbm>> -> memref<1000000x16xf32, #tpu.memory_space<hbm>>
      tpu.wait_indirect_dma semaphore(%arg9 : memref<!tpu.dma_semaphore, #tpu.memory_space<semaphore_mem>>) src(%dma_wait3A_32 : memref<1000000x16xf32, #tpu.memory_space<hbm>>) dst(%arg8 : memref<6656x16xf32, #tpu.memory_space<vmem>>)
      %scan3A_33 = arith.constant 0 : i32
      %scan3A_34 = arith.constant 0 : i32
      %scan3A_35 = arith.constant 416 : i32
      %scan3A_36 = arith.addi %scan3A_34, %scan3A_35 : i32
      %scan3A_37 = arith.constant 1 : i32
      scf.for %scan3A_39 = %scan3A_34 to %scan3A_36 step %scan3A_37  : i32 {
        %get3A = arith.index_cast %scan3A_39 : i32 to index
        %get3A_40 = arith.constant 0 : index
        %get3A_41 = tpu.vector_load %arg7[%get3A, %get3A_40] {strides = array<i32>} : memref<416x16xf32, #tpu.memory_space<vmem>>, vector<1x16xf32>,
        %get3A_42 = vector.shape_cast %get3A_41 : vector<1x16xf32> to vector<16xf32>
        %mul3A_43 = arith.constant 16 : i32
        %mul3A_44 = arith.muli %scan3A_39, %mul3A_43 : i32
        %add3A_45 = arith.constant 0 : i32
        %add3A_46 = arith.addi %mul3A_44, %add3A_45 : i32
        %get3A_47 = arith.index_cast %add3A_46 : i32 to index
        %get3A_48 = arith.constant 0 : index
        %get3A_49 = tpu.vector_load %arg8[%get3A_47, %get3A_48] {strides = array<i32>} : memref<6656x16xf32, #tpu.memory_space<vmem>>, vector<1x16xf32>,
        %get3A_50 = vector.shape_cast %get3A_49 : vector<1x16xf32> to vector<16xf32>
        %slice3A = vector.extract_strided_slice %get3A_42 {offsets = [0], sizes = [1], strides = [1]} : vector<16xf32> to vector<1xf32>
        %squeeze3A = vector.extract %slice3A[0] : f32 from vector<1xf32>
        %mul3A_51 = vector.broadcast %squeeze3A : f32 to vector<16xf32>
        %mul3A_52 = arith.mulf %get3A_50, %mul3A_51 : vector<16xf32>
        %add3A_53 = arith.constant 0 : i32
        %add3A_54 = arith.addi %mul3A_44, %add3A_53 : i32
        %swap3A = arith.index_cast %add3A_54 : i32 to index
        %swap3A_55 = arith.constant 0 : index
        %swap3A_56 = tpu.vector_load %arg8[%swap3A, %swap3A_55] {strides = array<i32>} : memref<6656x16xf32, #tpu.memory_space<vmem>>, vector<1x16xf32>,
        %swap3A_57 = vector.shape_cast %swap3A_56 : vector<1x16xf32> to vector<16xf32>
        %swap3A_58 = vector.shape_cast %mul3A_52 : vector<16xf32> to vector<1x16xf32>
        tpu.vector_store %arg8[%swap3A, %swap3A_55], %swap3A_58 {strides = array<i32>} : memref<6656x16xf32, #tpu.memory_space<vmem>>, vector<1x16xf32>,
        %add3A_59 = arith.constant 1 : i32
        %add3A_60 = arith.addi %mul3A_44, %add3A_59 : i32
        %get3A_61 = arith.index_cast %add3A_60 : i32 to index
        %get3A_62 = arith.constant 0 : index
        %get3A_63 = tpu.vector_load %arg8[%get3A_61, %get3A_62] {strides = array<i32>} : memref<6656x16xf32, #tpu.memory_space<vmem>>, vector<1x16xf32>,
        %get3A_64 = vector.shape_cast %get3A_63 : vector<1x16xf32> to vector<16xf32>
        %slice3A_65 = vector.extract_strided_slice %get3A_42 {offsets = [1], sizes = [1], strides = [1]} : vector<16xf32> to vector<1xf32>
        %squeeze3A_66 = vector.extract %slice3A_65[0] : f32 from vector<1xf32>
        %mul3A_67 = vector.broadcast %squeeze3A_66 : f32 to vector<16xf32>
        %mul3A_68 = arith.mulf %get3A_64, %mul3A_67 : vector<16xf32>
        %add3A_69 = arith.constant 1 : i32
        %add3A_70 = arith.addi %mul3A_44, %add3A_69 : i32
        %swap3A_71 = arith.index_cast %add3A_70 : i32 to index
        %swap3A_72 = arith.constant 0 : index
        %swap3A_73 = tpu.vector_load %arg8[%swap3A_71, %swap3A_72] {strides = array<i32>} : memref<6656x16xf32, #tpu.memory_space<vmem>>, vector<1x16xf32>,
        %swap3A_74 = vector.shape_cast %swap3A_73 : vector<1x16xf32> to vector<16xf32>
        %swap3A_75 = vector.shape_cast %mul3A_68 : vector<16xf32> to vector<1x16xf32>
        tpu.vector_store %arg8[%swap3A_71, %swap3A_72], %swap3A_75 {strides = array<i32>} : memref<6656x16xf32, #tpu.memory_space<vmem>>, vector<1x16xf32>,
        %add3A_76 = arith.constant 2 : i32
        %add3A_77 = arith.addi %mul3A_44, %add3A_76 : i32
        %get3A_78 = arith.index_cast %add3A_77 : i32 to index
        %get3A_79 = arith.constant 0 : index
        %get3A_80 = tpu.vector_load %arg8[%get3A_78, %get3A_79] {strides = array<i32>} : memref<6656x16xf32, #tpu.memory_space<vmem>>, vector<1x16xf32>,
        %get3A_81 = vector.shape_cast %get3A_80 : vector<1x16xf32> to vector<16xf32>
        %slice3A_82 = vector.extract_strided_slice %get3A_42 {offsets = [2], sizes = [1], strides = [1]} : vector<16xf32> to vector<1xf32>
        %squeeze3A_83 = vector.extract %slice3A_82[0] : f32 from vector<1xf32>
        %mul3A_84 = vector.broadcast %squeeze3A_83 : f32 to vector<16xf32>
        %mul3A_85 = arith.mulf %get3A_81, %mul3A_84 : vector<16xf32>
        %add3A_86 = arith.constant 2 : i32
        %add3A_87 = arith.addi %mul3A_44, %add3A_86 : i32
        %swap3A_88 = arith.index_cast %add3A_87 : i32 to index
        %swap3A_89 = arith.constant 0 : index
        %swap3A_90 = tpu.vector_load %arg8[%swap3A_88, %swap3A_89] {strides = array<i32>} : memref<6656x16xf32, #tpu.memory_space<vmem>>, vector<1x16xf32>,
        %swap3A_91 = vector.shape_cast %swap3A_90 : vector<1x16xf32> to vector<16xf32>
        %swap3A_92 = vector.shape_cast %mul3A_85 : vector<16xf32> to vector<1x16xf32>
        tpu.vector_store %arg8[%swap3A_88, %swap3A_89], %swap3A_92 {strides = array<i32>} : memref<6656x16xf32, #tpu.memory_space<vmem>>, vector<1x16xf32>,
        %add3A_93 = arith.constant 3 : i32
        %add3A_94 = arith.addi %mul3A_44, %add3A_93 : i32
        %get3A_95 = arith.index_cast %add3A_94 : i32 to index
        %get3A_96 = arith.constant 0 : index
        %get3A_97 = tpu.vector_load %arg8[%get3A_95, %get3A_96] {strides = array<i32>} : memref<6656x16xf32, #tpu.memory_space<vmem>>, vector<1x16xf32>,
        %get3A_98 = vector.shape_cast %get3A_97 : vector<1x16xf32> to vector<16xf32>
        %slice3A_99 = vector.extract_strided_slice %get3A_42 {offsets = [3], sizes = [1], strides = [1]} : vector<16xf32> to vector<1xf32>
        %squeeze3A_100 = vector.extract %slice3A_99[0] : f32 from vector<1xf32>
        %mul3A_101 = vector.broadcast %squeeze3A_100 : f32 to vector<16xf32>
        %mul3A_102 = arith.mulf %get3A_98, %mul3A_101 : vector<16xf32>
        %add3A_103 = arith.constant 3 : i32
        %add3A_104 = arith.addi %mul3A_44, %add3A_103 : i32
        %swap3A_105 = arith.index_cast %add3A_104 : i32 to index
        %swap3A_106 = arith.constant 0 : index
        %swap3A_107 = tpu.vector_load %arg8[%swap3A_105, %swap3A_106] {strides = array<i32>} : memref<6656x16xf32, #tpu.memory_space<vmem>>, vector<1x16xf32>,
        %swap3A_108 = vector.shape_cast %swap3A_107 : vector<1x16xf32> to vector<16xf32>
        %swap3A_109 = vector.shape_cast %mul3A_102 : vector<16xf32> to vector<1x16xf32>
        tpu.vector_store %arg8[%swap3A_105, %swap3A_106], %swap3A_109 {strides = array<i32>} : memref<6656x16xf32, #tpu.memory_space<vmem>>, vector<1x16xf32>,
        %add3A_110 = arith.constant 4 : i32
        %add3A_111 = arith.addi %mul3A_44, %add3A_110 : i32
        %get3A_112 = arith.index_cast %add3A_111 : i32 to index
        %get3A_113 = arith.constant 0 : index
        %get3A_114 = tpu.vector_load %arg8[%get3A_112, %get3A_113] {strides = array<i32>} : memref<6656x16xf32, #tpu.memory_space<vmem>>, vector<1x16xf32>,
        %get3A_115 = vector.shape_cast %get3A_114 : vector<1x16xf32> to vector<16xf32>
        %slice3A_116 = vector.extract_strided_slice %get3A_42 {offsets = [4], sizes = [1], strides = [1]} : vector<16xf32> to vector<1xf32>
        %squeeze3A_117 = vector.extract %slice3A_116[0] : f32 from vector<1xf32>
        %mul3A_118 = vector.broadcast %squeeze3A_117 : f32 to vector<16xf32>
        %mul3A_119 = arith.mulf %get3A_115, %mul3A_118 : vector<16xf32>
        %add3A_120 = arith.constant 4 : i32
        %add3A_121 = arith.addi %mul3A_44, %add3A_120 : i32
        %swap3A_122 = arith.index_cast %add3A_121 : i32 to index
        %swap3A_123 = arith.constant 0 : index
        %swap3A_124 = tpu.vector_load %arg8[%swap3A_122, %swap3A_123] {strides = array<i32>} : memref<6656x16xf32, #tpu.memory_space<vmem>>, vector<1x16xf32>,
        %swap3A_125 = vector.shape_cast %swap3A_124 : vector<1x16xf32> to vector<16xf32>
        %swap3A_126 = vector.shape_cast %mul3A_119 : vector<16xf32> to vector<1x16xf32>
        tpu.vector_store %arg8[%swap3A_122, %swap3A_123], %swap3A_126 {strides = array<i32>} : memref<6656x16xf32, #tpu.memory_space<vmem>>, vector<1x16xf32>,
        %add3A_127 = arith.constant 5 : i32
        %add3A_128 = arith.addi %mul3A_44, %add3A_127 : i32
        %get3A_129 = arith.index_cast %add3A_128 : i32 to index
        %get3A_130 = arith.constant 0 : index
        %get3A_131 = tpu.vector_load %arg8[%get3A_129, %get3A_130] {strides = array<i32>} : memref<6656x16xf32, #tpu.memory_space<vmem>>, vector<1x16xf32>,
        %get3A_132 = vector.shape_cast %get3A_131 : vector<1x16xf32> to vector<16xf32>
        %slice3A_133 = vector.extract_strided_slice %get3A_42 {offsets = [5], sizes = [1], strides = [1]} : vector<16xf32> to vector<1xf32>
        %squeeze3A_134 = vector.extract %slice3A_133[0] : f32 from vector<1xf32>
        %mul3A_135 = vector.broadcast %squeeze3A_134 : f32 to vector<16xf32>
        %mul3A_136 = arith.mulf %get3A_132, %mul3A_135 : vector<16xf32>
        %add3A_137 = arith.constant 5 : i32
        %add3A_138 = arith.addi %mul3A_44, %add3A_137 : i32
        %swap3A_139 = arith.index_cast %add3A_138 : i32 to index
        %swap3A_140 = arith.constant 0 : index
        %swap3A_141 = tpu.vector_load %arg8[%swap3A_139, %swap3A_140] {strides = array<i32>} : memref<6656x16xf32, #tpu.memory_space<vmem>>, vector<1x16xf32>,
        %swap3A_142 = vector.shape_cast %swap3A_141 : vector<1x16xf32> to vector<16xf32>
        %swap3A_143 = vector.shape_cast %mul3A_136 : vector<16xf32> to vector<1x16xf32>
        tpu.vector_store %arg8[%swap3A_139, %swap3A_140], %swap3A_143 {strides = array<i32>} : memref<6656x16xf32, #tpu.memory_space<vmem>>, vector<1x16xf32>,
        %add3A_144 = arith.constant 6 : i32
        %add3A_145 = arith.addi %mul3A_44, %add3A_144 : i32
        %get3A_146 = arith.index_cast %add3A_145 : i32 to index
        %get3A_147 = arith.constant 0 : index
        %get3A_148 = tpu.vector_load %arg8[%get3A_146, %get3A_147] {strides = array<i32>} : memref<6656x16xf32, #tpu.memory_space<vmem>>, vector<1x16xf32>,
        %get3A_149 = vector.shape_cast %get3A_148 : vector<1x16xf32> to vector<16xf32>
        %slice3A_150 = vector.extract_strided_slice %get3A_42 {offsets = [6], sizes = [1], strides = [1]} : vector<16xf32> to vector<1xf32>
        %squeeze3A_151 = vector.extract %slice3A_150[0] : f32 from vector<1xf32>
        %mul3A_152 = vector.broadcast %squeeze3A_151 : f32 to vector<16xf32>
        %mul3A_153 = arith.mulf %get3A_149, %mul3A_152 : vector<16xf32>
        %add3A_154 = arith.constant 6 : i32
        %add3A_155 = arith.addi %mul3A_44, %add3A_154 : i32
        %swap3A_156 = arith.index_cast %add3A_155 : i32 to index
        %swap3A_157 = arith.constant 0 : index
        %swap3A_158 = tpu.vector_load %arg8[%swap3A_156, %swap3A_157] {strides = array<i32>} : memref<6656x16xf32, #tpu.memory_space<vmem>>, vector<1x16xf32>,
        %swap3A_159 = vector.shape_cast %swap3A_158 : vector<1x16xf32> to vector<16xf32>
        %swap3A_160 = vector.shape_cast %mul3A_153 : vector<16xf32> to vector<1x16xf32>
        tpu.vector_store %arg8[%swap3A_156, %swap3A_157], %swap3A_160 {strides = array<i32>} : memref<6656x16xf32, #tpu.memory_space<vmem>>, vector<1x16xf32>,
        %add3A_161 = arith.constant 7 : i32
        %add3A_162 = arith.addi %mul3A_44, %add3A_161 : i32
        %get3A_163 = arith.index_cast %add3A_162 : i32 to index
        %get3A_164 = arith.constant 0 : index
        %get3A_165 = tpu.vector_load %arg8[%get3A_163, %get3A_164] {strides = array<i32>} : memref<6656x16xf32, #tpu.memory_space<vmem>>, vector<1x16xf32>,
        %get3A_166 = vector.shape_cast %get3A_165 : vector<1x16xf32> to vector<16xf32>
        %slice3A_167 = vector.extract_strided_slice %get3A_42 {offsets = [7], sizes = [1], strides = [1]} : vector<16xf32> to vector<1xf32>
        %squeeze3A_168 = vector.extract %slice3A_167[0] : f32 from vector<1xf32>
        %mul3A_169 = vector.broadcast %squeeze3A_168 : f32 to vector<16xf32>
        %mul3A_170 = arith.mulf %get3A_166, %mul3A_169 : vector<16xf32>
        %add3A_171 = arith.constant 7 : i32
        %add3A_172 = arith.addi %mul3A_44, %add3A_171 : i32
        %swap3A_173 = arith.index_cast %add3A_172 : i32 to index
        %swap3A_174 = arith.constant 0 : index
        %swap3A_175 = tpu.vector_load %arg8[%swap3A_173, %swap3A_174] {strides = array<i32>} : memref<6656x16xf32, #tpu.memory_space<vmem>>, vector<1x16xf32>,
        %swap3A_176 = vector.shape_cast %swap3A_175 : vector<1x16xf32> to vector<16xf32>
        %swap3A_177 = vector.shape_cast %mul3A_170 : vector<16xf32> to vector<1x16xf32>
        tpu.vector_store %arg8[%swap3A_173, %swap3A_174], %swap3A_177 {strides = array<i32>} : memref<6656x16xf32, #tpu.memory_space<vmem>>, vector<1x16xf32>,
        %add3A_178 = arith.constant 8 : i32
        %add3A_179 = arith.addi %mul3A_44, %add3A_178 : i32
        %get3A_180 = arith.index_cast %add3A_179 : i32 to index
        %get3A_181 = arith.constant 0 : index
        %get3A_182 = tpu.vector_load %arg8[%get3A_180, %get3A_181] {strides = array<i32>} : memref<6656x16xf32, #tpu.memory_space<vmem>>, vector<1x16xf32>,
        %get3A_183 = vector.shape_cast %get3A_182 : vector<1x16xf32> to vector<16xf32>
        %slice3A_184 = vector.extract_strided_slice %get3A_42 {offsets = [8], sizes = [1], strides = [1]} : vector<16xf32> to vector<1xf32>
        %squeeze3A_185 = vector.extract %slice3A_184[0] : f32 from vector<1xf32>
        %mul3A_186 = vector.broadcast %squeeze3A_185 : f32 to vector<16xf32>
        %mul3A_187 = arith.mulf %get3A_183, %mul3A_186 : vector<16xf32>
        %add3A_188 = arith.constant 8 : i32
        %add3A_189 = arith.addi %mul3A_44, %add3A_188 : i32
        %swap3A_190 = arith.index_cast %add3A_189 : i32 to index
        %swap3A_191 = arith.constant 0 : index
        %swap3A_192 = tpu.vector_load %arg8[%swap3A_190, %swap3A_191] {strides = array<i32>} : memref<6656x16xf32, #tpu.memory_space<vmem>>, vector<1x16xf32>,
        %swap3A_193 = vector.shape_cast %swap3A_192 : vector<1x16xf32> to vector<16xf32>
        %swap3A_194 = vector.shape_cast %mul3A_187 : vector<16xf32> to vector<1x16xf32>
        tpu.vector_store %arg8[%swap3A_190, %swap3A_191], %swap3A_194 {strides = array<i32>} : memref<6656x16xf32, #tpu.memory_space<vmem>>, vector<1x16xf32>,
        %add3A_195 = arith.constant 9 : i32
        %add3A_196 = arith.addi %mul3A_44, %add3A_195 : i32
        %get3A_197 = arith.index_cast %add3A_196 : i32 to index
        %get3A_198 = arith.constant 0 : index
        %get3A_199 = tpu.vector_load %arg8[%get3A_197, %get3A_198] {strides = array<i32>} : memref<6656x16xf32, #tpu.memory_space<vmem>>, vector<1x16xf32>,
        %get3A_200 = vector.shape_cast %get3A_199 : vector<1x16xf32> to vector<16xf32>
        %slice3A_201 = vector.extract_strided_slice %get3A_42 {offsets = [9], sizes = [1], strides = [1]} : vector<16xf32> to vector<1xf32>
        %squeeze3A_202 = vector.extract %slice3A_201[0] : f32 from vector<1xf32>
        %mul3A_203 = vector.broadcast %squeeze3A_202 : f32 to vector<16xf32>
        %mul3A_204 = arith.mulf %get3A_200, %mul3A_203 : vector<16xf32>
        %add3A_205 = arith.constant 9 : i32
        %add3A_206 = arith.addi %mul3A_44, %add3A_205 : i32
        %swap3A_207 = arith.index_cast %add3A_206 : i32 to index
        %swap3A_208 = arith.constant 0 : index
        %swap3A_209 = tpu.vector_load %arg8[%swap3A_207, %swap3A_208] {strides = array<i32>} : memref<6656x16xf32, #tpu.memory_space<vmem>>, vector<1x16xf32>,
        %swap3A_210 = vector.shape_cast %swap3A_209 : vector<1x16xf32> to vector<16xf32>
        %swap3A_211 = vector.shape_cast %mul3A_204 : vector<16xf32> to vector<1x16xf32>
        tpu.vector_store %arg8[%swap3A_207, %swap3A_208], %swap3A_211 {strides = array<i32>} : memref<6656x16xf32, #tpu.memory_space<vmem>>, vector<1x16xf32>,
        %add3A_212 = arith.constant 10 : i32
        %add3A_213 = arith.addi %mul3A_44, %add3A_212 : i32
        %get3A_214 = arith.index_cast %add3A_213 : i32 to index
        %get3A_215 = arith.constant 0 : index
        %get3A_216 = tpu.vector_load %arg8[%get3A_214, %get3A_215] {strides = array<i32>} : memref<6656x16xf32, #tpu.memory_space<vmem>>, vector<1x16xf32>,
        %get3A_217 = vector.shape_cast %get3A_216 : vector<1x16xf32> to vector<16xf32>
        %slice3A_218 = vector.extract_strided_slice %get3A_42 {offsets = [10], sizes = [1], strides = [1]} : vector<16xf32> to vector<1xf32>
        %squeeze3A_219 = vector.extract %slice3A_218[0] : f32 from vector<1xf32>
        %mul3A_220 = vector.broadcast %squeeze3A_219 : f32 to vector<16xf32>
        %mul3A_221 = arith.mulf %get3A_217, %mul3A_220 : vector<16xf32>
        %add3A_222 = arith.constant 10 : i32
        %add3A_223 = arith.addi %mul3A_44, %add3A_222 : i32
        %swap3A_224 = arith.index_cast %add3A_223 : i32 to index
        %swap3A_225 = arith.constant 0 : index
        %swap3A_226 = tpu.vector_load %arg8[%swap3A_224, %swap3A_225] {strides = array<i32>} : memref<6656x16xf32, #tpu.memory_space<vmem>>, vector<1x16xf32>,
        %swap3A_227 = vector.shape_cast %swap3A_226 : vector<1x16xf32> to vector<16xf32>
        %swap3A_228 = vector.shape_cast %mul3A_221 : vector<16xf32> to vector<1x16xf32>
        tpu.vector_store %arg8[%swap3A_224, %swap3A_225], %swap3A_228 {strides = array<i32>} : memref<6656x16xf32, #tpu.memory_space<vmem>>, vector<1x16xf32>,
        %add3A_229 = arith.constant 11 : i32
        %add3A_230 = arith.addi %mul3A_44, %add3A_229 : i32
        %get3A_231 = arith.index_cast %add3A_230 : i32 to index
        %get3A_232 = arith.constant 0 : index
        %get3A_233 = tpu.vector_load %arg8[%get3A_231, %get3A_232] {strides = array<i32>} : memref<6656x16xf32, #tpu.memory_space<vmem>>, vector<1x16xf32>,
        %get3A_234 = vector.shape_cast %get3A_233 : vector<1x16xf32> to vector<16xf32>
        %slice3A_235 = vector.extract_strided_slice %get3A_42 {offsets = [11], sizes = [1], strides = [1]} : vector<16xf32> to vector<1xf32>
        %squeeze3A_236 = vector.extract %slice3A_235[0] : f32 from vector<1xf32>
        %mul3A_237 = vector.broadcast %squeeze3A_236 : f32 to vector<16xf32>
        %mul3A_238 = arith.mulf %get3A_234, %mul3A_237 : vector<16xf32>
        %add3A_239 = arith.constant 11 : i32
        %add3A_240 = arith.addi %mul3A_44, %add3A_239 : i32
        %swap3A_241 = arith.index_cast %add3A_240 : i32 to index
        %swap3A_242 = arith.constant 0 : index
        %swap3A_243 = tpu.vector_load %arg8[%swap3A_241, %swap3A_242] {strides = array<i32>} : memref<6656x16xf32, #tpu.memory_space<vmem>>, vector<1x16xf32>,
        %swap3A_244 = vector.shape_cast %swap3A_243 : vector<1x16xf32> to vector<16xf32>
        %swap3A_245 = vector.shape_cast %mul3A_238 : vector<16xf32> to vector<1x16xf32>
        tpu.vector_store %arg8[%swap3A_241, %swap3A_242], %swap3A_245 {strides = array<i32>} : memref<6656x16xf32, #tpu.memory_space<vmem>>, vector<1x16xf32>,
        %add3A_246 = arith.constant 12 : i32
        %add3A_247 = arith.addi %mul3A_44, %add3A_246 : i32
        %get3A_248 = arith.index_cast %add3A_247 : i32 to index
        %get3A_249 = arith.constant 0 : index
        %get3A_250 = tpu.vector_load %arg8[%get3A_248, %get3A_249] {strides = array<i32>} : memref<6656x16xf32, #tpu.memory_space<vmem>>, vector<1x16xf32>,
        %get3A_251 = vector.shape_cast %get3A_250 : vector<1x16xf32> to vector<16xf32>
        %slice3A_252 = vector.extract_strided_slice %get3A_42 {offsets = [12], sizes = [1], strides = [1]} : vector<16xf32> to vector<1xf32>
        %squeeze3A_253 = vector.extract %slice3A_252[0] : f32 from vector<1xf32>
        %mul3A_254 = vector.broadcast %squeeze3A_253 : f32 to vector<16xf32>
        %mul3A_255 = arith.mulf %get3A_251, %mul3A_254 : vector<16xf32>
        %add3A_256 = arith.constant 12 : i32
        %add3A_257 = arith.addi %mul3A_44, %add3A_256 : i32
        %swap3A_258 = arith.index_cast %add3A_257 : i32 to index
        %swap3A_259 = arith.constant 0 : index
        %swap3A_260 = tpu.vector_load %arg8[%swap3A_258, %swap3A_259] {strides = array<i32>} : memref<6656x16xf32, #tpu.memory_space<vmem>>, vector<1x16xf32>,
        %swap3A_261 = vector.shape_cast %swap3A_260 : vector<1x16xf32> to vector<16xf32>
        %swap3A_262 = vector.shape_cast %mul3A_255 : vector<16xf32> to vector<1x16xf32>
        tpu.vector_store %arg8[%swap3A_258, %swap3A_259], %swap3A_262 {strides = array<i32>} : memref<6656x16xf32, #tpu.memory_space<vmem>>, vector<1x16xf32>,
        %add3A_263 = arith.constant 13 : i32
        %add3A_264 = arith.addi %mul3A_44, %add3A_263 : i32
        %get3A_265 = arith.index_cast %add3A_264 : i32 to index
        %get3A_266 = arith.constant 0 : index
        %get3A_267 = tpu.vector_load %arg8[%get3A_265, %get3A_266] {strides = array<i32>} : memref<6656x16xf32, #tpu.memory_space<vmem>>, vector<1x16xf32>,
        %get3A_268 = vector.shape_cast %get3A_267 : vector<1x16xf32> to vector<16xf32>
        %slice3A_269 = vector.extract_strided_slice %get3A_42 {offsets = [13], sizes = [1], strides = [1]} : vector<16xf32> to vector<1xf32>
        %squeeze3A_270 = vector.extract %slice3A_269[0] : f32 from vector<1xf32>
        %mul3A_271 = vector.broadcast %squeeze3A_270 : f32 to vector<16xf32>
        %mul3A_272 = arith.mulf %get3A_268, %mul3A_271 : vector<16xf32>
        %add3A_273 = arith.constant 13 : i32
        %add3A_274 = arith.addi %mul3A_44, %add3A_273 : i32
        %swap3A_275 = arith.index_cast %add3A_274 : i32 to index
        %swap3A_276 = arith.constant 0 : index
        %swap3A_277 = tpu.vector_load %arg8[%swap3A_275, %swap3A_276] {strides = array<i32>} : memref<6656x16xf32, #tpu.memory_space<vmem>>, vector<1x16xf32>,
        %swap3A_278 = vector.shape_cast %swap3A_277 : vector<1x16xf32> to vector<16xf32>
        %swap3A_279 = vector.shape_cast %mul3A_272 : vector<16xf32> to vector<1x16xf32>
        tpu.vector_store %arg8[%swap3A_275, %swap3A_276], %swap3A_279 {strides = array<i32>} : memref<6656x16xf32, #tpu.memory_space<vmem>>, vector<1x16xf32>,
        %add3A_280 = arith.constant 14 : i32
        %add3A_281 = arith.addi %mul3A_44, %add3A_280 : i32
        %get3A_282 = arith.index_cast %add3A_281 : i32 to index
        %get3A_283 = arith.constant 0 : index
        %get3A_284 = tpu.vector_load %arg8[%get3A_282, %get3A_283] {strides = array<i32>} : memref<6656x16xf32, #tpu.memory_space<vmem>>, vector<1x16xf32>,
        %get3A_285 = vector.shape_cast %get3A_284 : vector<1x16xf32> to vector<16xf32>
        %slice3A_286 = vector.extract_strided_slice %get3A_42 {offsets = [14], sizes = [1], strides = [1]} : vector<16xf32> to vector<1xf32>
        %squeeze3A_287 = vector.extract %slice3A_286[0] : f32 from vector<1xf32>
        %mul3A_288 = vector.broadcast %squeeze3A_287 : f32 to vector<16xf32>
        %mul3A_289 = arith.mulf %get3A_285, %mul3A_288 : vector<16xf32>
        %add3A_290 = arith.constant 14 : i32
        %add3A_291 = arith.addi %mul3A_44, %add3A_290 : i32
        %swap3A_292 = arith.index_cast %add3A_291 : i32 to index
        %swap3A_293 = arith.constant 0 : index
        %swap3A_294 = tpu.vector_load %arg8[%swap3A_292, %swap3A_293] {strides = array<i32>} : memref<6656x16xf32, #tpu.memory_space<vmem>>, vector<1x16xf32>,
        %swap3A_295 = vector.shape_cast %swap3A_294 : vector<1x16xf32> to vector<16xf32>
        %swap3A_296 = vector.shape_cast %mul3A_289 : vector<16xf32> to vector<1x16xf32>
        tpu.vector_store %arg8[%swap3A_292, %swap3A_293], %swap3A_296 {strides = array<i32>} : memref<6656x16xf32, #tpu.memory_space<vmem>>, vector<1x16xf32>,
        %add3A_297 = arith.constant 15 : i32
        %add3A_298 = arith.addi %mul3A_44, %add3A_297 : i32
        %get3A_299 = arith.index_cast %add3A_298 : i32 to index
        %get3A_300 = arith.constant 0 : index
        %get3A_301 = tpu.vector_load %arg8[%get3A_299, %get3A_300] {strides = array<i32>} : memref<6656x16xf32, #tpu.memory_space<vmem>>, vector<1x16xf32>,
        %get3A_302 = vector.shape_cast %get3A_301 : vector<1x16xf32> to vector<16xf32>
        %slice3A_303 = vector.extract_strided_slice %get3A_42 {offsets = [15], sizes = [1], strides = [1]} : vector<16xf32> to vector<1xf32>
        %squeeze3A_304 = vector.extract %slice3A_303[0] : f32 from vector<1xf32>
        %mul3A_305 = vector.broadcast %squeeze3A_304 : f32 to vector<16xf32>
        %mul3A_306 = arith.mulf %get3A_302, %mul3A_305 : vector<16xf32>
        %add3A_307 = arith.constant 15 : i32
        %add3A_308 = arith.addi %mul3A_44, %add3A_307 : i32
        %swap3A_309 = arith.index_cast %add3A_308 : i32 to index
        %swap3A_310 = arith.constant 0 : index
        %swap3A_311 = tpu.vector_load %arg8[%swap3A_309, %swap3A_310] {strides = array<i32>} : memref<6656x16xf32, #tpu.memory_space<vmem>>, vector<1x16xf32>,
        %swap3A_312 = vector.shape_cast %swap3A_311 : vector<1x16xf32> to vector<16xf32>
        %swap3A_313 = vector.shape_cast %mul3A_306 : vector<16xf32> to vector<1x16xf32>
        tpu.vector_store %arg8[%swap3A_309, %swap3A_310], %swap3A_313 {strides = array<i32>} : memref<6656x16xf32, #tpu.memory_space<vmem>>, vector<1x16xf32>,
      }
      %scan3A_38 = arith.constant 416 : i32
      "tpu.region"() ({
        %run_scoped3A = tpu.sem_alloc : memref<!tpu.dma_semaphore, #tpu.memory_space<semaphore_mem>>
        %dma_start3A_39 = arith.constant 0 : i32
        %dma_start3A_40 = tpu.memref_slice %arg5[%multiple_of3A, %dma_start3A_39] : memref<425984x16xf32, #tpu.memory_space<hbm>> -> memref<6656x16xf32, #tpu.memory_space<hbm>>
        %dma_start3A_41 = arith.constant 0 : i32
        %dma_start3A_42 = tpu.memref_slice %arg5[%multiple_of3A, %dma_start3A_41] : memref<425984x16xf32, #tpu.memory_space<hbm>> -> memref<6656x16xf32, #tpu.memory_space<hbm>>
        tpu.enqueue_dma source(%arg8 : memref<6656x16xf32, #tpu.memory_space<vmem>>) target(%dma_start3A_42 : memref<6656x16xf32, #tpu.memory_space<hbm>>) target_semaphore(%run_scoped3A : memref<!tpu.dma_semaphore, #tpu.memory_space<semaphore_mem>>)
        %dma_wait3A_43 = arith.constant 0 : i32
        %dma_wait3A_44 = tpu.memref_slice %arg5[%multiple_of3A, %dma_wait3A_43] : memref<425984x16xf32, #tpu.memory_space<hbm>> -> memref<6656x16xf32, #tpu.memory_space<hbm>>
        %dma_wait3A_45 = arith.constant 0 : i32
        %dma_wait3A_46 = tpu.memref_slice %arg5[%multiple_of3A, %dma_wait3A_45] : memref<425984x16xf32, #tpu.memory_space<hbm>> -> memref<6656x16xf32, #tpu.memory_space<hbm>>
        tpu.wait_dma2 semaphore(%run_scoped3A : memref<!tpu.dma_semaphore, #tpu.memory_space<semaphore_mem>>) src(%arg8 : memref<6656x16xf32, #tpu.memory_space<vmem>>) dst(%dma_wait3A_46 : memref<6656x16xf32, #tpu.memory_space<hbm>>)
        tpu.yield
      }) : () -> ()
    }
    %scan3A_7 = arith.constant 2 : i32
    return
  }
}

</mosaic_0001>

<sc_bundles>
// kernel: kernel.3.cloned.1.call-start
scs
__scs_entry_jumppad:
0x0: {  	(pc) =	sbr.rel $0x88, $3  }
0x1: {  	(tag) =	ssettag $0x0;
	lr =	simm.s32 $0x1  }
0x2: {  	[smem:$0x3F9E] =	sst lr;
	_ =	strace $0xD0000000  }
0x3: {  	_ = 	snop  }
0x4: {  	_ = 	snop  }
0x5: {  	_ = 	snop  }
0x6: {  	_ = 	snop  }
0x7: {  	_ = 	snop  }
__scs_overlays_trampoline_lowered:
0x8: {  	[smem:$0x3FAD] =	sst s0  }
0x9: {  	[smem:$0x3FAE] =	sst s1  }
0xa: {  	[smem:$0x3FAF] =	sst s2  }
0xb: {  	[smem:$0x3FB0] =	sst s3  }
0xc: {  	[smem:$0x3FB1] =	sst s4  }
0xd: {  	[smem:$0x3FB2] =	sst s5  }
0xe: {  	[smem:$0x3FB3] =	sst s6  }
0xf: {  	[smem:$0x3FB4] =	sst s7  }
0x10: {  	[smem:$0x3FB5] =	sst s8  }
0x11: {  	[smem:$0x3FB6] =	sst s9;
	s0 =	simm.s32 @!p0 $0x0  }
0x12: {  	s1 =	sld [smem:$0x3F9C];
	s0 =	simm.s32 @p0 $0x1  }
0x13: {  	[smem:$0x3FB7] =	sst s0;
	s0 =	simm.s32 @!p1 $0x0  }
0x14: {  	s2 =	sld [smem:$0x3F9B];
	s0 =	simm.s32 @p1 $0x1  }
0x15: {  	[smem:$0x3FB8] =	sst s0;
	s0 =	simm.s32 @!p2 $0x0  }
0x16: {  	s3 =	sld [smem:$0x3FDB];
	s0 =	simm.s32 @p2 $0x1  }
0x17: {  	s4 =	simm.s32 $0x1BF5;
	[smem:$0x3FBA] =	sst s0  }
0x18: {  	s0 =	sld [smem:$0x3F9D];
	_ =	swait.ge [sflag:s4], $0x0  }
0x19: {  	s7 =	sld [smem:$0x3F9E]  }
0x1a: {  	s8 =	sadd.s32 $0xFFFFE003, lr  }
0x1b: {  	s9 =	sadd.s32 $0xFFFFFEF7, lr;
	s5 =	simm.s32 $0xFFFFFFFF;
	p2 =	slt.u32 s8, $0xFFFFF086  }
0x1c: {  	p1 =	slt.u32 s9, $0xF7A;
	s5 =	simm.s32 @!p2 $0x0  }
0x1d: {  	s5 =	simm.s32 @p1 $0x1;
	p0 =	seq.s32 s7, s2  }
0x1e: {  	s7 =	smul.u32 @!p0 $0xF7A, s2;
	p2 =	seq.s32 @!p0 s5, $0x0  }
0x1f: {  	s9 =	smul.u32 $0xF7A, s1;
	s8 =	simm.s32 @!p0 $0x1BF5;
	p2 =	por !p2, p0  }
0x20: {  	[sflag:s8] =	ssyncset.s32 @!p0 $0xFFFFF086;
	s6 =	sadd.s32 @!p0 s3, s7;
	s7 =	simm.s32 @!p0 $0x108  }
0x21: {  	s3 =	sadd.s32 s3, s9;
	s6 =	sadd.s32 @!p0 $0x88, s6;
	s7 =	simm.s32 @p2 $0x1082  }
0x22: {  	[simem:s7], [sflag:s8] =	dma.local @!p0 [hbm:s6], $0xF7A  }
0x23: {  	s9 =	sor.u32 $0xD0000000, s2;
	s6 =	simm.s32 $0x108;
	_ =	swait.ge @!p0 [sflag:s8], $0x0  }
0x24: {  	s3 =	sadd.s32 $0x88, s3;
	s6 =	simm.s32 @!p1 $0x1082;
	[sflag:s4] =	ssyncset.s32 $0xFFFFF086  }
0x25: {  	[simem:s6], [sflag:s4] =	dma.local [hbm:s3], $0xF7A  }
0x26: {  	[smem:$0x3F9E] =	sst s1;
	(tag) =	ssettag s2;
	_ =	strace s9  }
0x27: {  	s1 =	sld [smem:$0x3FAE]  }
0x28: {  	s2 =	sld [smem:$0x3FAF]  }
0x29: {  	s4 =	sld [smem:$0x3FB1]  }
0x2a: {  	p0 =	seq.s32 s5, $0x0;
	s5 =	sld [smem:$0x3FB2]  }
0x2b: {  	s6 =	sld [smem:$0x3FB3]  }
0x2c: {  	s7 =	sld [smem:$0x3FB4]  }
0x2d: {  	s3 =	simm.s32 $0x108;
	s8 =	sld [smem:$0x3FB5]  }
0x2e: {  	s3 =	simm.s32 @!p0 $0x1082;
	s9 =	sld [smem:$0x3FB6]  }
0x2f: {  	lr =	sadd.s32 s0, s3;
	s0 =	sld [smem:$0x3FAD]  }
0x30: {  	s3 =	sld [smem:$0x3FB0]  }
0x31: {  	[smem:$0x3FB9] =	sst s10  }
0x32: {  	s10 =	sld [smem:$0x3FB7];
	_ =	sdelay $0x3  }
0x33: {  	p0 =	seq.s32 s10, $0x1;
	s10 =	sld [smem:$0x3FB9];
	_ =	sdelay $0x3  }
0x34: {  	[smem:$0x3FB9] =	sst s10  }
0x35: {  	s10 =	sld [smem:$0x3FB8];
	_ =	sdelay $0x3  }
0x36: {  	p1 =	seq.s32 s10, $0x1;
	s10 =	sld [smem:$0x3FB9];
	_ =	sdelay $0x3  }
0x37: {  	[smem:$0x3FB9] =	sst s10  }
0x38: {  	s10 =	sld [smem:$0x3FBA]  }
0x39: {  	_ = 	snop;
	(pc) =	sbr.ind lr, $3  }
0x3a: {  	_ = 	snop  }
0x3b: {  	_ = 	snop  }
0x3c: {  	p2 =	seq.s32 s10, $0x1;
	s10 =	sld [smem:$0x3FB9]  }
0x3d: {  	_ =	shalt  }
0x3e: {  	_ =	shalt  }
0x3f: {  	_ =	shalt  }
0x40: {  	_ =	shalt  }
0x41: {  	_ =	shalt  }
0x42: {  	_ =	shalt  }
0x43: {  	_ =	shalt  }
0x44: {  	_ =	shalt  }
0x45: {  	_ =	shalt  }
0x46: {  	_ =	shalt  }
0x47: {  	_ =	shalt  }
0x48: {  	_ =	shalt  }
0x49: {  	_ =	shalt  }
0x4a: {  	_ =	shalt  }
0x4b: {  	_ =	shalt  }
0x4c: {  	_ =	shalt  }
0x4d: {  	_ =	shalt  }
0x4e: {  	_ =	shalt  }
0x4f: {  	_ =	shalt  }
0x50: {  	_ =	shalt  }
0x51: {  	_ =	shalt  }
0x52: {  	_ =	shalt  }
0x53: {  	_ =	shalt  }
0x54: {  	_ =	shalt  }
0x55: {  	_ =	shalt  }
0x56: {  	_ =	shalt  }
0x57: {  	_ =	shalt  }
0x58: {  	_ =	shalt  }
0x59: {  	_ =	shalt  }
0x5a: {  	_ =	shalt  }
0x5b: {  	_ =	shalt  }
0x5c: {  	_ =	shalt  }
0x5d: {  	_ =	shalt  }
0x5e: {  	_ =	shalt  }
0x5f: {  	_ =	shalt  }
0x60: {  	_ =	shalt  }
0x61: {  	_ =	shalt  }
0x62: {  	_ =	shalt  }
0x63: {  	_ =	shalt  }
0x64: {  	_ =	shalt  }
0x65: {  	_ =	shalt  }
0x66: {  	_ =	shalt  }
0x67: {  	_ =	shalt  }
0x68: {  	_ =	shalt  }
0x69: {  	_ =	shalt  }
0x6a: {  	_ =	shalt  }
0x6b: {  	_ =	shalt  }
0x6c: {  	_ =	shalt  }
0x6d: {  	_ =	shalt  }
0x6e: {  	_ =	shalt  }
0x6f: {  	_ =	shalt  }
0x70: {  	_ =	shalt  }
0x71: {  	_ =	shalt  }
0x72: {  	_ =	shalt  }
0x73: {  	_ =	shalt  }
0x74: {  	_ =	shalt  }
0x75: {  	_ =	shalt  }
0x76: {  	_ =	shalt  }
0x77: {  	_ =	shalt  }
0x78: {  	_ =	shalt  }
0x79: {  	_ =	shalt  }
0x7a: {  	_ =	shalt  }
0x7b: {  	_ =	shalt  }
0x7c: {  	_ =	shalt  }
0x7d: {  	_ =	shalt  }
0x7e: {  	_ =	shalt  }
0x7f: {  	_ =	shalt  }
0x80: {  	_ =	shalt  }
0x81: {  	_ =	shalt  }
0x82: {  	_ =	shalt  }
0x83: {  	_ =	shalt  }
0x84: {  	_ =	shalt  }
0x85: {  	_ =	shalt  }
0x86: {  	_ =	shalt  }
0x87: {  	_ =	shalt  }
.Lfunc_end0:
.L_simem_size_0:
called_computation_lowered:
.L_overlay_start_0:
0x88: {  	s2 =	sld [smem:$0x3FD9]  }
0x89: {  	s3 =	sld [smem:$0x3FFE];
	_ =	sdelay $0x1  }
0x8a: {  	s1 =	srdreg.scid  }
0x8b: {  	s0 =	sand.u32 $0x1, s1  }
0x8c: {  	s17 =	sshll.u32 s0, $0xA;
	s2 =	sadd.s32 s3, s2  }
0x8d: {  	s2 =	sadd.s32 s2, s17  }
0x8e: {  	[smem:$0x3FC5] =	sst s2  }
0x8f: {  	_ = 	snop  }
0x90: {  	s2 =	sld [smem:$0x3FD0];
	(tm) =	ssettm $0x1  }
0x91: {  	s18 =	sld [smem:$0x3FFB];
	_ =	sdelay $0x3  }
0x92: {  	_ =	strace s18  }
0x93: {  	s3 =	sld [smem:$0x3FFC];
	_ =	sdelay $0x3  }
0x94: {  	_ =	strace s3  }
0x95: {  	s3 =	sld [smem:$0x3FFD];
	_ =	sdelay $0x3  }
0x96: {  	_ =	strace s3  }
0x97: {  	_ =	strace $0x8FFFFFFF  }
0x98: {  	s19 =	sld [smem:$0x3FDB];
	_ =	sdelay $0x1  }
0x99: {  	s4 =	simm.s32 $_scs_section_size  }
0x9a: {  	s5 =	simm.s32 $_size__tile_overlayer_lowered;
	s6 =	simm.s32 $_tile_overlayer_lowered  }
0x9b: {  	s22 =	simm.s32 $0x1BFF;
	s21 =	sshll.u32 s6, $0x1;
	s3 =	sadd.s32 s4, s19  }
0x9c: {  	s7 =	simm.s32 $0x0;
	s20 =	sshll.u32 s5, $0x1;
	s5 =	sadd.s32 s21, s3  }
0x9d: {  	[timem:s7], [sflag:s22] =	dma.local [hbm:s5], s20  }
0x9e: {  	_ =	swait.ge [sflag:s22], s20  }
0x9f: {  	s4 =	ssub.s32 $0x0, s20;
	[sflag:s22] =	ssyncset.done $0x0  }
0xa0: {  	[sflag:s22] =	ssyncadd.s32 s4;
	_ =	sdelay $0x1  }
0xa1: {  	s23 =	simm.s32 $0x1B8B  }
0xa2: {  	_ =	swait.ge [sflag:s23], $0x1  }
0xa3: {  	[sflag:s23] =	ssyncset.done $0x0  }
0xa4: {  	s25 =	simm.s32 $0x1B8E;
	s24 =	sld [smem:$0x3FFE];
	[sflag:s23] =	ssyncadd.s32 $0xFFFFFFFF  }
0xa5: {  	s26 =	simm.s32 $execute0_lowered;
	[smem:$0x3FD2] =	sst s25  }
0xa6: {  	s5 =	sshll.u32 s26, $0x1;
	_ =	strace $0x80000046;
	[dreg:$0x1] =	wrdreg $0xFFFFFFFF  }
0xa7: {  	s28 =	simm.s32 $_size_execute0_lowered;
	s3 =	sadd.s32 s3, s5;
	[dreg:$0x0] =	wrdreg $0x0  }
0xa8: {  	s5 =	sshll.u32 s28, $0x1;
	[dreg:$0x2] =	wrdreg s3  }
0xa9: {  	[dreg:$0x3] =	wrdreg s5  }
0xaa: {  	[dreg:$0x4] =	wrdreg $0xC0  }
0xab: {  	_ =	task [dreg:s7], $0x5FFFF  }
0xac: {  	[dreg:$0x1] =	wrdreg $0xFFFFFFFF  }
0xad: {  	[dreg:$0x0] =	wrdreg $0x60  }
0xae: {  	[dreg:$0x2] =	wrdreg s24  }
0xaf: {  	[dreg:$0x3] =	wrdreg s2  }
0xb0: {  	[dreg:$0x4] =	wrdreg $0x9  }
0xb1: {  	_ =	task.clear_ibuf [dreg:s7], $0x5FFFF;
	_ =	strace $0x90000046  }
0xb2: {  	s29 =	simm.s32 $0x9;
	_ =	strace $0x80000048  }
0xb3: {  	_ =	swait.ge [sflag:s29], $0x1  }
0xb4: {  	[sflag:s29] =	ssyncadd.s32 $0xFFFFFFFF  }
0xb5: {  	_ =	strace $0x90000048  }
0xb6: {  	_ =	sfence  }
0xb7: {  	s30 =	sld [smem:$0x0];
	_ =	sdelay $0x2  }
0xb8: {  	s31 =	sshll.u32 s1, $0xD;
	s1 =	sshrl.u32 s1, $0x2  }
0xb9: {  	s3 =	sand.u32 $0x4000, s31;
	s1 =	sadd.s32 s1, s30  }
0xba: {  	s0 =	sor.u32 s3, s0;
	s1 =	sshll.u32 s1, $0x11  }
0xbb: {  	s0 =	sor.u32 s1, s0  }
0xbc: {  	s0 =	sadd.s32 $0x8F2B, s0  }
0xbd: {  	[sflag:s0] =	ssyncadd.remote.s32 $0x1  }
0xbe: {  	_ =	sfence.sel $0xFFFF  }
0xbf: {  	[dreg:$0x0] =	wrdreg $0xFFFFFFFF;
	(pc) =	sbr.abs _section_cstart, $3  }
0xc0: {  	[dreg:$0x1] =	wrdreg $0xFFFFFFFF  }
0xc1: {  	_ =	task.clear_ibuf [dreg:s7], $0x2FFFF;
	_ =	strace $0x9FFFFFFF  }
0xc2: {  	(tm) =	ssettm $0x7FFFFFFF  }
0xc3: {  	_ =	shalt  }
tec
execute0_lowered:
.L_overlay_start_1:
0x0: {  	(tag) =	ssettag $0x1  }
0x1: {  	s6 =	rddreg [dreg:$0x0]  }
0x2: {  	s1 =	rddreg [dreg:$0x1]  }
0x3: {  	s0 =	rddreg [dreg:$0x2]  }
0x4: {  	s3 =	simm.s32 $0x0;
	s4 =	srdreg.scid;
	s2 =	stileid.u32  }
0x5: {  	s11 =	simm.s32 $0x3400;
	s12 =	simm.s32 $0x1;
	s13 =	simm.s32 $0x0  }
0x6: {  	[smem:$0x7FF] =	sst s3;
	s7 =	sand.u32 $0x1, s4;
	s4 =	sadd.s32 $0xD800, s6  }
0x7: {  	s9 =	sshll.u32 s2, $0x1;
	s5 =	sadd.s32 $0x800, s6;
	s8 =	ssub.s32 $0x2, s7  }
0x8: {  	s6 =	sadd.s32 $0xF42C00, s6;
	_ =	strace $0x80000047;
	s10 =	sshrl.u32 s8, $0x1  }
0x9: {  	s7 =	sor.u32 s7, s9;
	s9 =	simm.s32 $0x2;
	s8 =	ssub.s32 s8, s10  }
0xa: {  	s7 =	smul.u32 $0x3400, s7;
	s10 =	simm.s32 $0x1A00;
	s8 =	smax.u32 s8, $0x1  }
.LBB2_1:
0xb: {  	p1 =	por $0x1, $0x1;
	s14 =	simm.s32 $0x0  }
.LBB2_2:
0xc: {  	s14 =	sadd.s32 s7, s14  }
0xd: {  	s15 =	sshrl.u32 s14, $0x3  }
0xe: {  	s17 =	simm.s32 $0x0;
	s16 =	sadd.s32 s4, s15  }
0xf: {  	[tilespmem:s17], [sflag:$0x2] =	stream.linear.gather [hbm4b:s16+s17], $0x1A00, $0x38;
	[tilespmem:$0x1D400] =	vst v63  }
0x10: {  	_ =	swait.ge [sflag:s9], $0x1A00  }
0x11: {  	[sflag:s9] =	ssyncset.done $0x0  }
0x12: {  	s15 =	sadd.s32 s5, s15;
	[sflag:s9] =	ssyncadd.s32 $0xFFFFE600  }
0x13: {  	[tilespmem:s10], [sflag:$0x2] =	stream.linear.gather [hbm4b:s15+s17], $0x1A00, $0x38;
	[tilespmem:$0x1D400] =	vst v63  }
0x14: {  	_ =	swait.ge [sflag:s9], $0x1A00  }
0x15: {  	[sflag:s9] =	ssyncset.done $0x0  }
0x16: {  	[sflag:s9] =	ssyncadd.s32 $0xFFFFE600  }
0x17: {  	[tilespmem:s11], [sflag:$0x1] =	stream.indirect.gather [hbm4b:s6+s10], $0x10, s17, s10, $0xb8;
	[tilespmem:$0x1D400] =	vst v63  }
0x18: {  	_ =	swait.ge [sflag:s12], $0x1A000  }
0x19: {  	[sflag:s12] =	ssyncset.done $0x0  }
0x1a: {  	p0 =	por p1, p1;
	s15 =	simm.s32 $0x3480;
	[sflag:s12] =	ssyncadd.s32 $0xFFFE6000  }
0x1b: {  	s18 =	simm.s32 $0x0;
	s16 =	simm.s32 $0x3480;
	s17 =	simm.s32 $0x40;
	v0 =	vld [tilespmem:s15+$0xFFFFFFB0]  }
.LBB2_3:
0x1c: {  	p1 =	sne.s32 s17, $0x67C0;
	v1 =	vld [tilespmem:s18+$0x1A00]  }
0x1d: {  	v2 =	vld [tilespmem:s15+$0xFFFFFF90]  }
0x1e: {  	v3 =	vld [tilespmem:s15+$0xFFFFFF80]  }
0x1f: {  	v4 =	vld [tilespmem:s15+$0xFFFFFFA0]  }
0x20: {  	v5 =	vld [tilespmem:s15+$0xFFFFFFF0]  }
0x21: {  	v6 =	vbroadcast v1, $0x0;
	v7 =	vbroadcast v1, $0x1;
	v8 =	vld [tilespmem:s15+$0xFFFFFFD0]  }
0x22: {  	v9 =	vbroadcast v1, $0x2;
	v10 =	vbroadcast v1, $0x3;
	v11 =	vld [tilespmem:s15+$0xFFFFFFC0]  }
0x23: {  	v3 =	vmul.f32 v6, v3;
	v2 =	vmul.f32 v2, v7;
	v6 =	vld [tilespmem:s15+$0xFFFFFFE0]  }
0x24: {  	v0 =	vmul.f32 v0, v10;
	v4 =	vmul.f32 v4, v9;
	v7 =	vld [tilespmem:s15+$0x30]  }
0x25: {  	v9 =	vbroadcast v1, $0x5;
	[tilespmem:s15+$0xFFFFFF80] =	vst v3;
	v3 =	vbroadcast v1, $0x4;
	v10 =	vld [tilespmem:s15+$0x10]  }
0x26: {  	v12 =	vbroadcast v1, $0x7;
	[tilespmem:s15+$0xFFFFFF90] =	vst v2;
	v2 =	vbroadcast v1, $0x6;
	v13 =	vld [tilespmem:s15+$0x0]  }
0x27: {  	[tilespmem:s15+$0xFFFFFFA0] =	vst v4;
	v3 =	vmul.f32 v11, v3;
	v4 =	vmul.f32 v8, v9;
	v8 =	vld [tilespmem:s15+$0x20]  }
0x28: {  	[tilespmem:s15+$0xFFFFFFB0] =	vst v0;
	v0 =	vmul.f32 v6, v2;
	v2 =	vmul.f32 v5, v12;
	v5 =	vld [tilespmem:s15+$0x70]  }
0x29: {  	v6 =	vbroadcast v1, $0x9;
	[tilespmem:s15+$0xFFFFFFC0] =	vst v3;
	v3 =	vbroadcast v1, $0x8;
	v9 =	vld [tilespmem:s15+$0x50]  }
0x2a: {  	v11 =	vbroadcast v1, $0xB;
	[tilespmem:s15+$0xFFFFFFD0] =	vst v4;
	v4 =	vbroadcast v1, $0xA;
	v12 =	vld [tilespmem:s15+$0x40]  }
0x2b: {  	[tilespmem:s15+$0xFFFFFFE0] =	vst v0;
	v0 =	vmul.f32 v13, v3;
	v3 =	vmul.f32 v10, v6;
	v6 =	vld [tilespmem:s15+$0x60]  }
0x2c: {  	[tilespmem:s15+$0xFFFFFFF0] =	vst v2;
	v2 =	vmul.f32 v8, v4;
	v4 =	vmul.f32 v7, v11  }
0x2d: {  	v7 =	vbroadcast v1, $0xD;
	[tilespmem:s15+$0x0] =	vst v0;
	v0 =	vbroadcast v1, $0xC  }
0x2e: {  	[tilespmem:s15+$0x10] =	vst v3;
	v3 =	vbroadcast v1, $0xE;
	v1 =	vbroadcast v1, $0xF  }
0x2f: {  	[tilespmem:s15+$0x20] =	vst v2;
	v0 =	vmul.f32 v12, v0;
	v2 =	vmul.f32 v9, v7  }
.Ltmp0:
0x30: {  	[tilespmem:s15+$0x30] =	vst v4;
	v3 =	vmul.f32 v6, v3;
	v1 =	vmul.f32 v5, v1;
	(pc) =	sbr.rel @p1 .LBB2_3-.Ltmp0, $4  }
0x31: {  	[tilespmem:s15+$0x40] =	vst v0  }
0x32: {  	[tilespmem:s15+$0x50] =	vst v2  }
0x33: {  	s15 =	sadd.s32 $0x100, s15;
	[tilespmem:s16+$0x60] =	vst v3  }
0x34: {  	s18 =	sshra.s32 s17, $0x2;
	s17 =	sadd.s32 $0x40, s17;
	v0 =	vld [tilespmem:s15+$0xFFFFFFB0];
	[tilespmem:s16+$0x70] =	vst v1;
	s16 =	smov.u32 s15  }
0x35: {  	v1 =	vld [tilespmem:s18+$0x1A00];
	_ =	sdelay $0x1  }
0x36: {  	v2 =	vld [tilespmem:s15+$0xFFFFFF80]  }
0x37: {  	v3 =	vld [tilespmem:s15+$0xFFFFFF90]  }
0x38: {  	v4 =	vld [tilespmem:s15+$0xFFFFFFA0]  }
0x39: {  	v5 =	vbroadcast v1, $0x0  }
0x3a: {  	v8 =	vld [tilespmem:s15+$0xFFFFFFD0];
	v6 =	vbroadcast v1, $0x1  }
0x3b: {  	v43 =	vld [tilespmem:s15+$0xFFFFFFE0];
	v9 =	vbroadcast v1, $0x2;
	v2 =	vmul.f32 v5, v2  }
0x3c: {  	v47 =	vld [tilespmem:s15+$0x10];
	v42 =	vbroadcast v1, $0x3;
	v3 =	vmul.f32 v3, v6  }
0x3d: {  	v7 =	vld [tilespmem:s15+$0xFFFFFFC0];
	v45 =	vbroadcast v1, $0x5;
	v4 =	vmul.f32 v4, v9;
	[tilespmem:s15+$0xFFFFFF80] =	vst v2  }
0x3e: {  	v10 =	vld [tilespmem:s15+$0xFFFFFFF0];
	v11 =	vbroadcast v1, $0x6;
	v0 =	vmul.f32 v0, v42;
	[tilespmem:s15+$0xFFFFFF90] =	vst v3  }
0x3f: {  	v49 =	vld [tilespmem:s15+$0x20];
	v52 =	vbroadcast v1, $0x9;
	v5 =	vmul.f32 v8, v45;
	[tilespmem:s15+$0xFFFFFFA0] =	vst v4  }
0x40: {  	v50 =	vld [tilespmem:s15+$0x30];
	v44 =	vbroadcast v1, $0x4;
	v6 =	vmul.f32 v43, v11;
	[tilespmem:s15+$0xFFFFFFB0] =	vst v0  }
0x41: {  	v46 =	vld [tilespmem:s15+$0x0];
	v48 =	vbroadcast v1, $0x7;
	v57 =	vmul.f32 v47, v52;
	[tilespmem:s15+$0xFFFFFFD0] =	vst v5  }
0x42: {  	v54 =	vld [tilespmem:s15+$0x50];
	v55 =	vbroadcast v1, $0xA;
	v2 =	vmul.f32 v7, v44;
	[tilespmem:s15+$0xFFFFFFE0] =	vst v6  }
0x43: {  	v53 =	vld [tilespmem:s15+$0x40];
	v56 =	vbroadcast v1, $0xB;
	v4 =	vmul.f32 v10, v48;
	[tilespmem:s15+$0x10] =	vst v57  }
0x44: {  	v58 =	vld [tilespmem:s15+$0x60];
	v51 =	vbroadcast v1, $0x8;
	v7 =	vmul.f32 v49, v55;
	[tilespmem:s15+$0xFFFFFFC0] =	vst v2  }
0x45: {  	v59 =	vld [tilespmem:s15+$0x70];
	v61 =	vbroadcast v1, $0xD;
	v0 =	vmul.f32 v50, v56;
	[tilespmem:s15+$0xFFFFFFF0] =	vst v4  }
0x46: {  	v60 =	vbroadcast v1, $0xC;
	v2 =	vmul.f32 v46, v51;
	[tilespmem:s15+$0x20] =	vst v7  }
0x47: {  	v62 =	vbroadcast v1, $0xE;
	v3 =	vmul.f32 v54, v61;
	[tilespmem:s15+$0x30] =	vst v0  }
0x48: {  	v1 =	vbroadcast v1, $0xF;
	[tilespmem:s15+$0x0] =	vst v2;
	v2 =	vmul.f32 v53, v60  }
0x49: {  	v63 =	vmul.f32 v58, v62;
	[tilespmem:s15+$0x50] =	vst v3  }
0x4a: {  	v1 =	vmul.f32 v59, v1;
	[tilespmem:s15+$0x40] =	vst v2  }
0x4b: {  	s14 =	sshll.u32 s14, $0x1;
	[tilespmem:s16+$0x60] =	vst v63  }
.Ltmp1:
0x4c: {  	s14 =	sadd.s32 s1, s14;
	[tilespmem:s16+$0x70] =	vst v1;
	(pc) =	sbr.rel @p0 .LBB2_2-.Ltmp1, $4  }
0x4d: {  	[hbm4b:s14+s3] =	stream.linear.scatter [tilespmem:s11], [sflag:$0x2], $0x1A000, $0x38;
	[tilespmem:$0x1D400] =	vst v63  }
0x4e: {  	_ =	swait.ge [sflag:s9], $0x1A000  }
0x4f: {  	[sflag:s9] =	ssyncset.done $0x0  }
0x50: {  	p1 =	por $0x0, $0x0;
	s14 =	simm.s32 $0x1A00;
	[sflag:s9] =	ssyncadd.s32 $0xFFFE6000  }
0x51: {  	s13 =	sadd.s32 $0x1, s13  }
0x52: {  	p0 =	sne.s32 s13, s8  }
.Ltmp2:
0x53: {  	_ = 	snop;
	(pc) =	sbr.rel @p0 .LBB2_1-.Ltmp2, $1  }
0x54: {  	_ =	sdelay $0x3  }
0x55: {  	_ =	sfence.sel $0x180000  }
0x56: {  	[bflag:$0x0] =	sbarrier.arrive $0xFFFF  }
0x57: {  	p0 =	sne.s32 s2, $0x0;
	_ =	strace $0x90000047  }
0x58: {  	s0 =	sadd.s32 @!p0 $0x100000, s0;
	[bflag:$0x2] =	sbarrier.arrive $0xFFFF  }
0x59: {  	[sflag:s0] =	ssyncadd.tile.s32 @!p0 $0x1;
	_ =	shalt  }
.Lfunc_end2:
_tile_overlayer_lowered:
.L_overlay_start_2:
0x5a: {  	(tag) =	ssettag $0x2  }
0x5b: {  	s0 =	rddreg [dreg:$0x0];
	s2 =	stileid.u32  }
0x5c: {  	s1 =	rddreg [dreg:$0x1];
	p0 =	sne.s32 s2, $0x0  }
0x5d: {  	s3 =	rddreg [dreg:$0x2];
	[bflag:$0x3] =	sbarrier.arrive $0xFFFF;
	s2 =	simm.s32 @!p0 $0x1C02  }
0x5e: {  	[timem:s3], [sflag:s2] =	dma.local @!p0 [hbm:s0], s1  }
0x5f: {  	s0 =	simm.s32 @!p0 $0x2  }
0x60: {  	_ =	swait.ge @!p0 [sflag:s0], s1  }
0x61: {  	s1 =	ssub.s32 @!p0 $0x0, s1;
	[sflag:s0] =	ssyncset.done @!p0 $0x0  }
0x62: {  	[sflag:s0] =	ssyncadd.s32 @!p0 s1  }
0x63: {  	[bflag:$0x3] =	sbarrier.arrive $0xFFFF  }
0x64: {  	_ =	shalt  }

</sc_bundles>
